<compile_context>
chip_gen: v7x
topology: tpu7x:2x2x1
jax: 0.10.2.dev20260603
libtpu: 0.0.44.dev20260713+nightly
codegen_flags: <defaults>
</compile_context>

<pallas_src>
import jax
import jax.numpy as jnp
from jax.experimental import pallas as pl
from jax.experimental.pallas import tpu as pltpu

_PRE = 2000
_PAD = 2048
_ROWS = _PAD // 128
_POST = 100
_IOU_THR = 0.5
_SCORE_THR = 0.05


def _nms_kernel(x1_ref, y1_ref, x2_ref, y2_ref, s_ref,
                sx1_ref, sy1_ref, sx2_ref, sy2_ref, ss_ref, sidx_ref,
                ox1_ref, oy1_ref, ox2_ref, oy2_ref, osc_ref, oidx_ref):
    scores = s_ref[...]
    x1 = x1_ref[...]
    y1 = y1_ref[...]
    x2 = x2_ref[...]
    y2 = y2_ref[...]
    area = (x2 - x1) * (y2 - y1)
    flat = (jax.lax.broadcasted_iota(jnp.int32, (_ROWS, 128), 0) * 128
            + jax.lax.broadcasted_iota(jnp.int32, (_ROWS, 128), 1))
    lane = jax.lax.broadcasted_iota(jnp.int32, (1, 128), 1)

    valid = scores > 0.0
    ox1_ref[...] = jnp.zeros((1, 128), jnp.float32)
    oy1_ref[...] = jnp.zeros((1, 128), jnp.float32)
    ox2_ref[...] = jnp.zeros((1, 128), jnp.float32)
    oy2_ref[...] = jnp.zeros((1, 128), jnp.float32)
    osc_ref[...] = jnp.full((1, 128), -1.0, jnp.float32)
    oidx_ref[...] = jnp.zeros((1, 128), jnp.int32)

    def emit(cnt, i, sci):
        oh = lane == cnt
        ox1_ref[...] = jnp.where(oh, sx1_ref[i], ox1_ref[...])
        oy1_ref[...] = jnp.where(oh, sy1_ref[i], oy1_ref[...])
        ox2_ref[...] = jnp.where(oh, sx2_ref[i], ox2_ref[...])
        oy2_ref[...] = jnp.where(oh, sy2_ref[i], oy2_ref[...])
        osc_ref[...] = jnp.where(oh, sci, osc_ref[...])
        oidx_ref[...] = jnp.where(oh, sidx_ref[i], oidx_ref[...])

    def cond(state):
        i, cnt, _a = state
        return (i < _PAD) & (cnt < _POST)

    def body(state):
        i, cnt, a = state
        emit(cnt, i, ss_ref[i])
        x1i = sx1_ref[i]
        y1i = sy1_ref[i]
        x2i = sx2_ref[i]
        y2i = sy2_ref[i]
        area_i = (x2i - x1i) * (y2i - y1i)
        xx1 = jnp.maximum(x1i, x1)
        yy1 = jnp.maximum(y1i, y1)
        xx2 = jnp.minimum(x2i, x2)
        yy2 = jnp.minimum(y2i, y2)
        inter = (jnp.clip(xx2 - xx1, 0.0, None)
                 * jnp.clip(yy2 - yy1, 0.0, None))
        union = area_i + area - inter
        iou = inter / jnp.maximum(union, 1e-8)
        sup = (iou > _IOU_THR) & (flat > i)
        a_new = jnp.where(sup, _PAD, a)
        nxt = jnp.min(jnp.where(a_new > i, a_new, _PAD))
        return nxt, cnt + 1, a_new

    a0 = jnp.where(valid, flat, _PAD)
    next0 = jnp.min(a0)
    _, cnt_fin, a_fin = jax.lax.while_loop(cond, body, (next0, 0, a0))

    dead_fin = jnp.where((a_fin == _PAD) & (flat < _PRE), flat, _PRE)

    def pad_cond(state):
        p, cnt = state
        return (p < _PRE) & (cnt < _POST)

    def pad_body(state):
        p, cnt = state
        emit(cnt, p, -1.0)
        nxt = jnp.min(jnp.where(dead_fin > p, dead_fin, _PRE))
        return nxt, cnt + 1

    @pl.when(cnt_fin < _POST)
    def _():
        p0 = jnp.min(dead_fin)
        jax.lax.while_loop(pad_cond, pad_body, (p0, cnt_fin))


def kernel(boxes, scores):
    masked = jnp.where(scores >= _SCORE_THR, scores, -1.0)
    top_scores, idx = jax.lax.top_k(masked, _PRE)
    top_boxes = jnp.take(boxes, idx, axis=0)

    pad = _PAD - _PRE
    sflat = jnp.pad(top_scores, (0, pad), constant_values=-1.0)
    iflat = jnp.pad(idx, (0, pad))
    bp = jnp.pad(top_boxes, ((0, pad), (0, 0)))
    x1f = bp[:, 0]
    y1f = bp[:, 1]
    x2f = bp[:, 2]
    y2f = bp[:, 3]

    vm = pl.BlockSpec(memory_space=pltpu.MemorySpace.VMEM)
    sm = pl.BlockSpec(memory_space=pltpu.MemorySpace.SMEM)
    out_shapes = [jax.ShapeDtypeStruct((1, 128), jnp.float32)] * 5 + [
        jax.ShapeDtypeStruct((1, 128), jnp.int32)
    ]
    ox1, oy1, ox2, oy2, osc, oidx = pl.pallas_call(
        _nms_kernel,
        out_shape=out_shapes,
        in_specs=[vm] * 5 + [sm] * 6,
        out_specs=[vm] * 6,
    )(
        x1f.reshape(_ROWS, 128), y1f.reshape(_ROWS, 128),
        x2f.reshape(_ROWS, 128), y2f.reshape(_ROWS, 128),
        sflat.reshape(_ROWS, 128),
        x1f, y1f, x2f, y2f, sflat, iflat,
    )

    sel_boxes = jnp.stack(
        [ox1[0, :_POST], oy1[0, :_POST], ox2[0, :_POST], oy2[0, :_POST]],
        axis=1,
    )
    return sel_boxes, osc[0, :_POST], oidx[0, :_POST]

# --- scband reference (transcript-rebuilt; emitter-appended) ---
"""Pipeline reference for scband-voxel-net-48232482734150 (READ-ONLY COPY).

The authoritative reference and input builder live on the scoring server;
editing this copy changes nothing except your own understanding.
"""

import jax, jax.numpy as jnp
import numpy as np

N = 20000
PRE = 2000
POST = 100
IOU_THR = 0.5
SCORE_THR = 0.05


def setup_inputs(seed: int = 0) -> dict:
    key = jax.random.key(seed)
    k1, k2, k3 = jax.random.split(key, 3)
    # boxes as (x1, y1, x2, y2) with x2 > x1, y2 > y1
    xy = jax.random.uniform(k1, (N, 2), dtype=jnp.float32) * 100.0
    wh = jax.random.uniform(k2, (N, 2), dtype=jnp.float32) * 10.0 + 1.0
    boxes = jnp.concatenate([xy, xy + wh], axis=1)
    scores = jax.random.uniform(k3, (N,), dtype=jnp.float32)
    return {"boxes": boxes, "scores": scores}


def _pairwise_iou(boxes):
    x1, y1, x2, y2 = boxes[:, 0], boxes[:, 1], boxes[:, 2], boxes[:, 3]
    area = (x2 - x1) * (y2 - y1)
    xx1 = jnp.maximum(x1[:, None], x1[None, :])
    yy1 = jnp.maximum(y1[:, None], y1[None, :])
    xx2 = jnp.minimum(x2[:, None], x2[None, :])
    yy2 = jnp.minimum(y2[:, None], y2[None, :])
    inter = jnp.clip(xx2 - xx1, 0.0, None) * jnp.clip(yy2 - yy1, 0.0, None)
    union = area[:, None] + area[None, :] - inter
    return inter / jnp.maximum(union, 1e-8)


def _nms_core(boxes, scores):
    # 1) score threshold (as in VoxelNet post_process nms_score_threshold)
    masked = jnp.where(scores >= SCORE_THR, scores, -1.0)
    # 2) pre-NMS top-k (nms_pre_max_size)
    top_scores, idx = jax.lax.top_k(masked, PRE)
    top_boxes = jnp.take(boxes, idx, axis=0)
    # 3) greedy NMS on the PRE candidates
    iou = _pairwise_iou(top_boxes)
    valid = top_scores > 0.0
    rng = jnp.arange(PRE)

    def body(i, keep):
        suppress = (iou[i] > IOU_THR) & (rng > i)
        return jnp.where(keep[i], keep & (~suppress), keep)

    keep = jax.lax.fori_loop(0, PRE, body, valid)
    # 4) post-NMS top-k (nms_post_max_size)
    kept_scores = jnp.where(keep, top_scores, -1.0)
    sel_scores, sel = jax.lax.top_k(kept_scores, POST)
    sel_boxes = jnp.take(top_boxes, sel, axis=0)
    sel_idx = jnp.take(idx, sel, axis=0)
    return sel_boxes, sel_scores, sel_idx


def reference(boxes, scores):
    return _nms_core(boxes, scores)

if __name__ == "__main__":
    import jax
    _d = setup_inputs()
    print(jax.jit(kernel)(*tuple(_d.values())))

</pallas_src>

<mosaic_0001>
module attributes {stable_mosaic.version = 14 : i64} {
  func.func @_nms_kernel(%arg0: memref<16x128xf32, #tpu.memory_space<vmem>>, %arg1: memref<16x128xf32, #tpu.memory_space<vmem>>, %arg2: memref<16x128xf32, #tpu.memory_space<vmem>>, %arg3: memref<16x128xf32, #tpu.memory_space<vmem>>, %arg4: memref<16x128xf32, #tpu.memory_space<vmem>>, %arg5: memref<2048xf32, #tpu.memory_space<smem>>, %arg6: memref<2048xf32, #tpu.memory_space<smem>>, %arg7: memref<2048xf32, #tpu.memory_space<smem>>, %arg8: memref<2048xf32, #tpu.memory_space<smem>>, %arg9: memref<2048xf32, #tpu.memory_space<smem>>, %arg10: memref<2048xi32, #tpu.memory_space<smem>>, %arg11: memref<1x128xf32, #tpu.memory_space<vmem>>, %arg12: memref<1x128xf32, #tpu.memory_space<vmem>>, %arg13: memref<1x128xf32, #tpu.memory_space<vmem>>, %arg14: memref<1x128xf32, #tpu.memory_space<vmem>>, %arg15: memref<1x128xf32, #tpu.memory_space<vmem>>, %arg16: memref<1x128xi32, #tpu.memory_space<vmem>>) attributes {dimension_semantics = [], scalar_prefetch = 0 : i64, scratch_operands = 0 : i64, tpu.core_type = #tpu.core_type<tc>} {
    %get3A = arith.constant 0 : index
    %get3A_0 = arith.constant 0 : index
    %get3A_1 = vector.load %arg4[%get3A, %get3A_0] : memref<16x128xf32, #tpu.memory_space<vmem>>, vector<16x128xf32>
    %get3A_2 = arith.constant 0 : index
    %get3A_3 = arith.constant 0 : index
    %get3A_4 = vector.load %arg0[%get3A_2, %get3A_3] : memref<16x128xf32, #tpu.memory_space<vmem>>, vector<16x128xf32>
    %get3A_5 = arith.constant 0 : index
    %get3A_6 = arith.constant 0 : index
    %get3A_7 = vector.load %arg1[%get3A_5, %get3A_6] : memref<16x128xf32, #tpu.memory_space<vmem>>, vector<16x128xf32>
    %get3A_8 = arith.constant 0 : index
    %get3A_9 = arith.constant 0 : index
    %get3A_10 = vector.load %arg2[%get3A_8, %get3A_9] : memref<16x128xf32, #tpu.memory_space<vmem>>, vector<16x128xf32>
    %get3A_11 = arith.constant 0 : index
    %get3A_12 = arith.constant 0 : index
    %get3A_13 = vector.load %arg3[%get3A_11, %get3A_12] : memref<16x128xf32, #tpu.memory_space<vmem>>, vector<16x128xf32>
    %sub3A = arith.subf %get3A_10, %get3A_4 : vector<16x128xf32>
    %sub3A_14 = arith.subf %get3A_13, %get3A_7 : vector<16x128xf32>
    %mul3A = arith.mulf %sub3A, %sub3A_14 : vector<16x128xf32>
    %iota3A = tpu.iota {dimensions = array<i32: 0>} : vector<16x128xi32>
    %mul3A_15 = arith.constant 128 : i32
    %mul3A_16 = vector.broadcast %mul3A_15 : i32 to vector<16x128xi32>
    %mul3A_17 = arith.muli %iota3A, %mul3A_16 : vector<16x128xi32>
    %iota3A_18 = tpu.iota {dimensions = array<i32: 1>} : vector<16x128xi32>
    %add3A = arith.addi %mul3A_17, %iota3A_18 : vector<16x128xi32>
    %iota3A_19 = tpu.iota {dimensions = array<i32: 1>} : vector<1x128xi32>
    %gt3A = arith.constant 0.000000e+00 : f32
    %gt3A_20 = vector.broadcast %gt3A : f32 to vector<16x128xf32>
    %gt3A_21 = arith.cmpf ogt, %get3A_1, %gt3A_20 : vector<16x128xf32>
    %broadcast_in_dim3A = arith.constant 0.000000e+00 : f32
    %broadcast_in_dim3A_22 = vector.broadcast %broadcast_in_dim3A : f32 to vector<1x128xf32>
    %swap3A = arith.constant 0 : index
    %swap3A_23 = arith.constant 0 : index
    %swap3A_24 = vector.load %arg11[%swap3A, %swap3A_23] : memref<1x128xf32, #tpu.memory_space<vmem>>, vector<1x128xf32>
    tpu.vector_store %arg11[%swap3A, %swap3A_23], %broadcast_in_dim3A_22 {strides = array<i32>} : memref<1x128xf32, #tpu.memory_space<vmem>>, vector<1x128xf32>,
    %broadcast_in_dim3A_25 = arith.constant 0.000000e+00 : f32
    %broadcast_in_dim3A_26 = vector.broadcast %broadcast_in_dim3A_25 : f32 to vector<1x128xf32>
    %swap3A_27 = arith.constant 0 : index
    %swap3A_28 = arith.constant 0 : index
    %swap3A_29 = vector.load %arg12[%swap3A_27, %swap3A_28] : memref<1x128xf32, #tpu.memory_space<vmem>>, vector<1x128xf32>
    tpu.vector_store %arg12[%swap3A_27, %swap3A_28], %broadcast_in_dim3A_26 {strides = array<i32>} : memref<1x128xf32, #tpu.memory_space<vmem>>, vector<1x128xf32>,
    %broadcast_in_dim3A_30 = arith.constant 0.000000e+00 : f32
    %broadcast_in_dim3A_31 = vector.broadcast %broadcast_in_dim3A_30 : f32 to vector<1x128xf32>
    %swap3A_32 = arith.constant 0 : index
    %swap3A_33 = arith.constant 0 : index
    %swap3A_34 = vector.load %arg13[%swap3A_32, %swap3A_33] : memref<1x128xf32, #tpu.memory_space<vmem>>, vector<1x128xf32>
    tpu.vector_store %arg13[%swap3A_32, %swap3A_33], %broadcast_in_dim3A_31 {strides = array<i32>} : memref<1x128xf32, #tpu.memory_space<vmem>>, vector<1x128xf32>,
    %broadcast_in_dim3A_35 = arith.constant 0.000000e+00 : f32
    %broadcast_in_dim3A_36 = vector.broadcast %broadcast_in_dim3A_35 : f32 to vector<1x128xf32>
    %swap3A_37 = arith.constant 0 : index
    %swap3A_38 = arith.constant 0 : index
    %swap3A_39 = vector.load %arg14[%swap3A_37, %swap3A_38] : memref<1x128xf32, #tpu.memory_space<vmem>>, vector<1x128xf32>
    tpu.vector_store %arg14[%swap3A_37, %swap3A_38], %broadcast_in_dim3A_36 {strides = array<i32>} : memref<1x128xf32, #tpu.memory_space<vmem>>, vector<1x128xf32>,
    %broadcast_in_dim3A_40 = arith.constant -1.000000e+00 : f32
    %broadcast_in_dim3A_41 = vector.broadcast %broadcast_in_dim3A_40 : f32 to vector<1x128xf32>
    %swap3A_42 = arith.constant 0 : index
    %swap3A_43 = arith.constant 0 : index
    %swap3A_44 = vector.load %arg15[%swap3A_42, %swap3A_43] : memref<1x128xf32, #tpu.memory_space<vmem>>, vector<1x128xf32>
    tpu.vector_store %arg15[%swap3A_42, %swap3A_43], %broadcast_in_dim3A_41 {strides = array<i32>} : memref<1x128xf32, #tpu.memory_space<vmem>>, vector<1x128xf32>,
    %broadcast_in_dim3A_45 = arith.constant 0 : i32
    %broadcast_in_dim3A_46 = vector.broadcast %broadcast_in_dim3A_45 : i32 to vector<1x128xi32>
    %swap3A_47 = arith.constant 0 : index
    %swap3A_48 = arith.constant 0 : index
    %swap3A_49 = vector.load %arg16[%swap3A_47, %swap3A_48] : memref<1x128xi32, #tpu.memory_space<vmem>>, vector<1x128xi32>
    tpu.vector_store %arg16[%swap3A_47, %swap3A_48], %broadcast_in_dim3A_46 {strides = array<i32>} : memref<1x128xi32, #tpu.memory_space<vmem>>, vector<1x128xi32>,
    %jit3A = arith.constant 2048 : i32
    %broadcast_in_dim3A_50 = vector.broadcast %jit3A : i32 to vector<16x128xi32>
    %select_n3A = arith.select %gt3A_21, %add3A, %broadcast_in_dim3A_50 : vector<16x128xi1>, vector<16x128xi32>
    %reduce_min3A = vector.shape_cast %select_n3A : vector<16x128xi32> to vector<1x16x128xi32>
    %reduce_min3A_51 = arith.constant dense<2147483647> : vector<1xi32>
    %reduce_min3A_52 = vector.multi_reduction <minsi>, %reduce_min3A, %reduce_min3A_51 [1, 2] : vector<1x16x128xi32> to vector<1xi32>
    %reduce_min3A_53 = vector.shape_cast %reduce_min3A_52 : vector<1xi32> to vector<1x1x1xi32>
    %reduce_min3A_54 = vector.extract %reduce_min3A_53[0, 0, 0] : i32 from vector<1x1x1xi32>
    %while3A = arith.constant 0 : i32
    %while3A_55:3 = scf.while (%while3A_66 = %reduce_min3A_54, %while3A_67 = %while3A, %while3A_68 = %select_n3A) : (i32, i32, vector<16x128xi32>) -> (i32, i32, vector<16x128xi32>) {
      %lt3A_69 = arith.constant 2048 : i32
      %lt3A_70 = arith.cmpi slt, %while3A_66, %lt3A_69 : i32
      %lt3A_71 = arith.constant 100 : i32
      %lt3A_72 = arith.cmpi slt, %while3A_67, %lt3A_71 : i32
      %and3A_73 = arith.andi %lt3A_70, %lt3A_72 : i1
      scf.condition(%and3A_73) %while3A_66, %while3A_67, %while3A_68 : i32, i32, vector<16x128xi32>
    } do {
    ^bb0(%while3A_66: i32, %while3A_67: i32, %while3A_68: vector<16x128xi32>):
      %get3A_69 = arith.index_cast %while3A_66 : i32 to index
      %get3A_70 = memref.load %arg9[%get3A_69] : memref<2048xf32, #tpu.memory_space<smem>>
      %eq3A_71 = vector.broadcast %while3A_67 : i32 to vector<1x128xi32>
      %eq3A_72 = arith.cmpi eq, %iota3A_19, %eq3A_71 : vector<1x128xi32>
      %get3A_73 = arith.index_cast %while3A_66 : i32 to index
      %get3A_74 = memref.load %arg5[%get3A_73] : memref<2048xf32, #tpu.memory_space<smem>>
      %get3A_75 = arith.constant 0 : index
      %get3A_76 = arith.constant 0 : index
      %get3A_77 = vector.load %arg11[%get3A_75, %get3A_76] : memref<1x128xf32, #tpu.memory_space<vmem>>, vector<1x128xf32>
      %broadcast_in_dim3A_78 = vector.broadcast %get3A_74 : f32 to vector<1x128xf32>
      %select_n3A_79 = arith.select %eq3A_72, %broadcast_in_dim3A_78, %get3A_77 : vector<1x128xi1>, vector<1x128xf32>
      %swap3A_80 = arith.constant 0 : index
      %swap3A_81 = arith.constant 0 : index
      %swap3A_82 = vector.load %arg11[%swap3A_80, %swap3A_81] : memref<1x128xf32, #tpu.memory_space<vmem>>, vector<1x128xf32>
      tpu.vector_store %arg11[%swap3A_80, %swap3A_81], %select_n3A_79 {strides = array<i32>} : memref<1x128xf32, #tpu.memory_space<vmem>>, vector<1x128xf32>,
      %get3A_83 = arith.index_cast %while3A_66 : i32 to index
      %get3A_84 = memref.load %arg6[%get3A_83] : memref<2048xf32, #tpu.memory_space<smem>>
      %get3A_85 = arith.constant 0 : index
      %get3A_86 = arith.constant 0 : index
      %get3A_87 = vector.load %arg12[%get3A_85, %get3A_86] : memref<1x128xf32, #tpu.memory_space<vmem>>, vector<1x128xf32>
      %broadcast_in_dim3A_88 = vector.broadcast %get3A_84 : f32 to vector<1x128xf32>
      %select_n3A_89 = arith.select %eq3A_72, %broadcast_in_dim3A_88, %get3A_87 : vector<1x128xi1>, vector<1x128xf32>
      %swap3A_90 = arith.constant 0 : index
      %swap3A_91 = arith.constant 0 : index
      %swap3A_92 = vector.load %arg12[%swap3A_90, %swap3A_91] : memref<1x128xf32, #tpu.memory_space<vmem>>, vector<1x128xf32>
      tpu.vector_store %arg12[%swap3A_90, %swap3A_91], %select_n3A_89 {strides = array<i32>} : memref<1x128xf32, #tpu.memory_space<vmem>>, vector<1x128xf32>,
      %get3A_93 = arith.index_cast %while3A_66 : i32 to index
      %get3A_94 = memref.load %arg7[%get3A_93] : memref<2048xf32, #tpu.memory_space<smem>>
      %get3A_95 = arith.constant 0 : index
      %get3A_96 = arith.constant 0 : index
      %get3A_97 = vector.load %arg13[%get3A_95, %get3A_96] : memref<1x128xf32, #tpu.memory_space<vmem>>, vector<1x128xf32>
      %broadcast_in_dim3A_98 = vector.broadcast %get3A_94 : f32 to vector<1x128xf32>
      %select_n3A_99 = arith.select %eq3A_72, %broadcast_in_dim3A_98, %get3A_97 : vector<1x128xi1>, vector<1x128xf32>
      %swap3A_100 = arith.constant 0 : index
      %swap3A_101 = arith.constant 0 : index
      %swap3A_102 = vector.load %arg13[%swap3A_100, %swap3A_101] : memref<1x128xf32, #tpu.memory_space<vmem>>, vector<1x128xf32>
      tpu.vector_store %arg13[%swap3A_100, %swap3A_101], %select_n3A_99 {strides = array<i32>} : memref<1x128xf32, #tpu.memory_space<vmem>>, vector<1x128xf32>,
      %get3A_103 = arith.index_cast %while3A_66 : i32 to index
      %get3A_104 = memref.load %arg8[%get3A_103] : memref<2048xf32, #tpu.memory_space<smem>>
      %get3A_105 = arith.constant 0 : index
      %get3A_106 = arith.constant 0 : index
      %get3A_107 = vector.load %arg14[%get3A_105, %get3A_106] : memref<1x128xf32, #tpu.memory_space<vmem>>, vector<1x128xf32>
      %broadcast_in_dim3A_108 = vector.broadcast %get3A_104 : f32 to vector<1x128xf32>
      %select_n3A_109 = arith.select %eq3A_72, %broadcast_in_dim3A_108, %get3A_107 : vector<1x128xi1>, vector<1x128xf32>
      %swap3A_110 = arith.constant 0 : index
      %swap3A_111 = arith.constant 0 : index
      %swap3A_112 = vector.load %arg14[%swap3A_110, %swap3A_111] : memref<1x128xf32, #tpu.memory_space<vmem>>, vector<1x128xf32>
      tpu.vector_store %arg14[%swap3A_110, %swap3A_111], %select_n3A_109 {strides = array<i32>} : memref<1x128xf32, #tpu.memory_space<vmem>>, vector<1x128xf32>,
      %get3A_113 = arith.constant 0 : index
      %get3A_114 = arith.constant 0 : index
      %get3A_115 = vector.load %arg15[%get3A_113, %get3A_114] : memref<1x128xf32, #tpu.memory_space<vmem>>, vector<1x128xf32>
      %broadcast_in_dim3A_116 = vector.broadcast %get3A_70 : f32 to vector<1x128xf32>
      %select_n3A_117 = arith.select %eq3A_72, %broadcast_in_dim3A_116, %get3A_115 : vector<1x128xi1>, vector<1x128xf32>
      %swap3A_118 = arith.constant 0 : index
      %swap3A_119 = arith.constant 0 : index
      %swap3A_120 = vector.load %arg15[%swap3A_118, %swap3A_119] : memref<1x128xf32, #tpu.memory_space<vmem>>, vector<1x128xf32>
      tpu.vector_store %arg15[%swap3A_118, %swap3A_119], %select_n3A_117 {strides = array<i32>} : memref<1x128xf32, #tpu.memory_space<vmem>>, vector<1x128xf32>,
      %get3A_121 = arith.index_cast %while3A_66 : i32 to index
      %get3A_122 = memref.load %arg10[%get3A_121] : memref<2048xi32, #tpu.memory_space<smem>>
      %get3A_123 = arith.constant 0 : index
      %get3A_124 = arith.constant 0 : index
      %get3A_125 = vector.load %arg16[%get3A_123, %get3A_124] : memref<1x128xi32, #tpu.memory_space<vmem>>, vector<1x128xi32>
      %broadcast_in_dim3A_126 = vector.broadcast %get3A_122 : i32 to vector<1x128xi32>
      %select_n3A_127 = arith.select %eq3A_72, %broadcast_in_dim3A_126, %get3A_125 : vector<1x128xi1>, vector<1x128xi32>
      %swap3A_128 = arith.constant 0 : index
      %swap3A_129 = arith.constant 0 : index
      %swap3A_130 = vector.load %arg16[%swap3A_128, %swap3A_129] : memref<1x128xi32, #tpu.memory_space<vmem>>, vector<1x128xi32>
      tpu.vector_store %arg16[%swap3A_128, %swap3A_129], %select_n3A_127 {strides = array<i32>} : memref<1x128xi32, #tpu.memory_space<vmem>>, vector<1x128xi32>,
      %get3A_131 = arith.index_cast %while3A_66 : i32 to index
      %get3A_132 = memref.load %arg5[%get3A_131] : memref<2048xf32, #tpu.memory_space<smem>>
      %get3A_133 = arith.index_cast %while3A_66 : i32 to index
      %get3A_134 = memref.load %arg6[%get3A_133] : memref<2048xf32, #tpu.memory_space<smem>>
      %get3A_135 = arith.index_cast %while3A_66 : i32 to index
      %get3A_136 = memref.load %arg7[%get3A_135] : memref<2048xf32, #tpu.memory_space<smem>>
      %get3A_137 = arith.index_cast %while3A_66 : i32 to index
      %get3A_138 = memref.load %arg8[%get3A_137] : memref<2048xf32, #tpu.memory_space<smem>>
      %sub3A_139 = arith.subf %get3A_136, %get3A_132 : f32
      %sub3A_140 = arith.subf %get3A_138, %get3A_134 : f32
      %mul3A_141 = arith.mulf %sub3A_139, %sub3A_140 : f32
      %max3A = vector.broadcast %get3A_132 : f32 to vector<16x128xf32>
      %max3A_142 = arith.maximumf %max3A, %get3A_4 : vector<16x128xf32>
      %max3A_143 = vector.broadcast %get3A_134 : f32 to vector<16x128xf32>
      %max3A_144 = arith.maximumf %max3A_143, %get3A_7 : vector<16x128xf32>
      %min3A = vector.broadcast %get3A_136 : f32 to vector<16x128xf32>
      %min3A_145 = arith.minimumf %min3A, %get3A_10 : vector<16x128xf32>
      %min3A_146 = vector.broadcast %get3A_138 : f32 to vector<16x128xf32>
      %min3A_147 = arith.minimumf %min3A_146, %get3A_13 : vector<16x128xf32>
      %sub3A_148 = arith.subf %min3A_145, %max3A_142 : vector<16x128xf32>
      %jit3A_149 = arith.constant 0.000000e+00 : f32
      %max3A_150 = vector.broadcast %jit3A_149 : f32 to vector<16x128xf32>
      %max3A_151 = arith.maximumf %max3A_150, %sub3A_148 : vector<16x128xf32>
      %sub3A_152 = arith.subf %min3A_147, %max3A_144 : vector<16x128xf32>
      %jit3A_153 = arith.constant 0.000000e+00 : f32
      %max3A_154 = vector.broadcast %jit3A_153 : f32 to vector<16x128xf32>
      %max3A_155 = arith.maximumf %max3A_154, %sub3A_152 : vector<16x128xf32>
      %mul3A_156 = arith.mulf %max3A_151, %max3A_155 : vector<16x128xf32>
      %add3A_157 = vector.broadcast %mul3A_141 : f32 to vector<16x128xf32>
      %add3A_158 = arith.addf %add3A_157, %mul3A : vector<16x128xf32>
      %sub3A_159 = arith.subf %add3A_158, %mul3A_156 : vector<16x128xf32>
      %max3A_160 = arith.constant 9.99999993E-9 : f32
      %max3A_161 = vector.broadcast %max3A_160 : f32 to vector<16x128xf32>
      %max3A_162 = arith.maximumf %sub3A_159, %max3A_161 : vector<16x128xf32>
      %div3A = arith.divf %mul3A_156, %max3A_162 : vector<16x128xf32>
      %gt3A_163 = arith.constant 5.000000e-01 : f32
      %gt3A_164 = vector.broadcast %gt3A_163 : f32 to vector<16x128xf32>
      %gt3A_165 = arith.cmpf ogt, %div3A, %gt3A_164 : vector<16x128xf32>
      %gt3A_166 = vector.broadcast %while3A_66 : i32 to vector<16x128xi32>
      %gt3A_167 = arith.cmpi sgt, %add3A, %gt3A_166 : vector<16x128xi32>
      %and3A_168 = arith.andi %gt3A_165, %gt3A_167 : vector<16x128xi1>
      %jit3A_169 = arith.constant 2048 : i32
      %broadcast_in_dim3A_170 = vector.broadcast %jit3A_169 : i32 to vector<16x128xi32>
      %select_n3A_171 = arith.select %and3A_168, %broadcast_in_dim3A_170, %while3A_68 : vector<16x128xi1>, vector<16x128xi32>
      %gt3A_172 = vector.broadcast %while3A_66 : i32 to vector<16x128xi32>
      %gt3A_173 = arith.cmpi sgt, %select_n3A_171, %gt3A_172 : vector<16x128xi32>
      %jit3A_174 = arith.constant 2048 : i32
      %broadcast_in_dim3A_175 = vector.broadcast %jit3A_174 : i32 to vector<16x128xi32>
      %select_n3A_176 = arith.select %gt3A_173, %select_n3A_171, %broadcast_in_dim3A_175 : vector<16x128xi1>, vector<16x128xi32>
      %reduce_min3A_177 = vector.shape_cast %select_n3A_176 : vector<16x128xi32> to vector<1x16x128xi32>
      %reduce_min3A_178 = arith.constant dense<2147483647> : vector<1xi32>
      %reduce_min3A_179 = vector.multi_reduction <minsi>, %reduce_min3A_177, %reduce_min3A_178 [1, 2] : vector<1x16x128xi32> to vector<1xi32>
      %reduce_min3A_180 = vector.shape_cast %reduce_min3A_179 : vector<1xi32> to vector<1x1x1xi32>
      %reduce_min3A_181 = vector.extract %reduce_min3A_180[0, 0, 0] : i32 from vector<1x1x1xi32>
      %add3A_182 = arith.constant 1 : i32
      %add3A_183 = arith.addi %while3A_67, %add3A_182 : i32
      scf.yield %reduce_min3A_181, %add3A_183, %select_n3A_171 : i32, i32, vector<16x128xi32>
    }
    %eq3A = arith.constant 2048 : i32
    %eq3A_56 = vector.broadcast %eq3A : i32 to vector<16x128xi32>
    %eq3A_57 = arith.cmpi eq, %while3A_55#2, %eq3A_56 : vector<16x128xi32>
    %lt3A = arith.constant 2000 : i32
    %lt3A_58 = vector.broadcast %lt3A : i32 to vector<16x128xi32>
    %lt3A_59 = arith.cmpi slt, %add3A, %lt3A_58 : vector<16x128xi32>
    %and3A = arith.andi %eq3A_57, %lt3A_59 : vector<16x128xi1>
    %jit3A_60 = arith.constant 2000 : i32
    %broadcast_in_dim3A_61 = vector.broadcast %jit3A_60 : i32 to vector<16x128xi32>
    %select_n3A_62 = arith.select %and3A, %add3A, %broadcast_in_dim3A_61 : vector<16x128xi1>, vector<16x128xi32>
    %lt3A_63 = arith.constant 100 : i32
    %lt3A_64 = arith.cmpi slt, %while3A_55#1, %lt3A_63 : i32
    %convert_element_type3A = arith.extui %lt3A_64 : i1 to i32
    %cond3A = arith.constant 0 : i32
    %cond3A_65 = arith.cmpi ne, %convert_element_type3A, %cond3A : i32
    scf.if %cond3A_65 {
      %reduce_min3A_66 = vector.shape_cast %select_n3A_62 : vector<16x128xi32> to vector<1x16x128xi32>
      %reduce_min3A_67 = arith.constant dense<2147483647> : vector<1xi32>
      %reduce_min3A_68 = vector.multi_reduction <minsi>, %reduce_min3A_66, %reduce_min3A_67 [1, 2] : vector<1x16x128xi32> to vector<1xi32>
      %reduce_min3A_69 = vector.shape_cast %reduce_min3A_68 : vector<1xi32> to vector<1x1x1xi32>
      %reduce_min3A_70 = vector.extract %reduce_min3A_69[0, 0, 0] : i32 from vector<1x1x1xi32>
      %while3A_71:2 = scf.while (%while3A_72 = %reduce_min3A_70, %while3A_73 = %while3A_55#1) : (i32, i32) -> (i32, i32) {
        %lt3A_74 = arith.constant 2000 : i32
        %lt3A_75 = arith.cmpi slt, %while3A_72, %lt3A_74 : i32
        %lt3A_76 = arith.constant 100 : i32
        %lt3A_77 = arith.cmpi slt, %while3A_73, %lt3A_76 : i32
        %and3A_78 = arith.andi %lt3A_75, %lt3A_77 : i1
        scf.condition(%and3A_78) %while3A_72, %while3A_73 : i32, i32
      } do {
      ^bb0(%while3A_72: i32, %while3A_73: i32):
        %eq3A_74 = vector.broadcast %while3A_73 : i32 to vector<1x128xi32>
        %eq3A_75 = arith.cmpi eq, %iota3A_19, %eq3A_74 : vector<1x128xi32>
        %get3A_76 = arith.index_cast %while3A_72 : i32 to index
        %get3A_77 = memref.load %arg5[%get3A_76] : memref<2048xf32, #tpu.memory_space<smem>>
        %get3A_78 = arith.constant 0 : index
        %get3A_79 = arith.constant 0 : index
        %get3A_80 = vector.load %arg11[%get3A_78, %get3A_79] : memref<1x128xf32, #tpu.memory_space<vmem>>, vector<1x128xf32>
        %broadcast_in_dim3A_81 = vector.broadcast %get3A_77 : f32 to vector<1x128xf32>
        %select_n3A_82 = arith.select %eq3A_75, %broadcast_in_dim3A_81, %get3A_80 : vector<1x128xi1>, vector<1x128xf32>
        %swap3A_83 = arith.constant 0 : index
        %swap3A_84 = arith.constant 0 : index
        %swap3A_85 = vector.load %arg11[%swap3A_83, %swap3A_84] : memref<1x128xf32, #tpu.memory_space<vmem>>, vector<1x128xf32>
        tpu.vector_store %arg11[%swap3A_83, %swap3A_84], %select_n3A_82 {strides = array<i32>} : memref<1x128xf32, #tpu.memory_space<vmem>>, vector<1x128xf32>,
        %get3A_86 = arith.index_cast %while3A_72 : i32 to index
        %get3A_87 = memref.load %arg6[%get3A_86] : memref<2048xf32, #tpu.memory_space<smem>>
        %get3A_88 = arith.constant 0 : index
        %get3A_89 = arith.constant 0 : index
        %get3A_90 = vector.load %arg12[%get3A_88, %get3A_89] : memref<1x128xf32, #tpu.memory_space<vmem>>, vector<1x128xf32>
        %broadcast_in_dim3A_91 = vector.broadcast %get3A_87 : f32 to vector<1x128xf32>
        %select_n3A_92 = arith.select %eq3A_75, %broadcast_in_dim3A_91, %get3A_90 : vector<1x128xi1>, vector<1x128xf32>
        %swap3A_93 = arith.constant 0 : index
        %swap3A_94 = arith.constant 0 : index
        %swap3A_95 = vector.load %arg12[%swap3A_93, %swap3A_94] : memref<1x128xf32, #tpu.memory_space<vmem>>, vector<1x128xf32>
        tpu.vector_store %arg12[%swap3A_93, %swap3A_94], %select_n3A_92 {strides = array<i32>} : memref<1x128xf32, #tpu.memory_space<vmem>>, vector<1x128xf32>,
        %get3A_96 = arith.index_cast %while3A_72 : i32 to index
        %get3A_97 = memref.load %arg7[%get3A_96] : memref<2048xf32, #tpu.memory_space<smem>>
        %get3A_98 = arith.constant 0 : index
        %get3A_99 = arith.constant 0 : index
        %get3A_100 = vector.load %arg13[%get3A_98, %get3A_99] : memref<1x128xf32, #tpu.memory_space<vmem>>, vector<1x128xf32>
        %broadcast_in_dim3A_101 = vector.broadcast %get3A_97 : f32 to vector<1x128xf32>
        %select_n3A_102 = arith.select %eq3A_75, %broadcast_in_dim3A_101, %get3A_100 : vector<1x128xi1>, vector<1x128xf32>
        %swap3A_103 = arith.constant 0 : index
        %swap3A_104 = arith.constant 0 : index
        %swap3A_105 = vector.load %arg13[%swap3A_103, %swap3A_104] : memref<1x128xf32, #tpu.memory_space<vmem>>, vector<1x128xf32>
        tpu.vector_store %arg13[%swap3A_103, %swap3A_104], %select_n3A_102 {strides = array<i32>} : memref<1x128xf32, #tpu.memory_space<vmem>>, vector<1x128xf32>,
        %get3A_106 = arith.index_cast %while3A_72 : i32 to index
        %get3A_107 = memref.load %arg8[%get3A_106] : memref<2048xf32, #tpu.memory_space<smem>>
        %get3A_108 = arith.constant 0 : index
        %get3A_109 = arith.constant 0 : index
        %get3A_110 = vector.load %arg14[%get3A_108, %get3A_109] : memref<1x128xf32, #tpu.memory_space<vmem>>, vector<1x128xf32>
        %broadcast_in_dim3A_111 = vector.broadcast %get3A_107 : f32 to vector<1x128xf32>
        %select_n3A_112 = arith.select %eq3A_75, %broadcast_in_dim3A_111, %get3A_110 : vector<1x128xi1>, vector<1x128xf32>
        %swap3A_113 = arith.constant 0 : index
        %swap3A_114 = arith.constant 0 : index
        %swap3A_115 = vector.load %arg14[%swap3A_113, %swap3A_114] : memref<1x128xf32, #tpu.memory_space<vmem>>, vector<1x128xf32>
        tpu.vector_store %arg14[%swap3A_113, %swap3A_114], %select_n3A_112 {strides = array<i32>} : memref<1x128xf32, #tpu.memory_space<vmem>>, vector<1x128xf32>,
        %get3A_116 = arith.constant 0 : index
        %get3A_117 = arith.constant 0 : index
        %get3A_118 = vector.load %arg15[%get3A_116, %get3A_117] : memref<1x128xf32, #tpu.memory_space<vmem>>, vector<1x128xf32>
        %jit3A_119 = arith.constant -1.000000e+00 : f32
        %broadcast_in_dim3A_120 = vector.broadcast %jit3A_119 : f32 to vector<1x128xf32>
        %select_n3A_121 = arith.select %eq3A_75, %broadcast_in_dim3A_120, %get3A_118 : vector<1x128xi1>, vector<1x128xf32>
        %swap3A_122 = arith.constant 0 : index
        %swap3A_123 = arith.constant 0 : index
        %swap3A_124 = vector.load %arg15[%swap3A_122, %swap3A_123] : memref<1x128xf32, #tpu.memory_space<vmem>>, vector<1x128xf32>
        tpu.vector_store %arg15[%swap3A_122, %swap3A_123], %select_n3A_121 {strides = array<i32>} : memref<1x128xf32, #tpu.memory_space<vmem>>, vector<1x128xf32>,
        %get3A_125 = arith.index_cast %while3A_72 : i32 to index
        %get3A_126 = memref.load %arg10[%get3A_125] : memref<2048xi32, #tpu.memory_space<smem>>
        %get3A_127 = arith.constant 0 : index
        %get3A_128 = arith.constant 0 : index
        %get3A_129 = vector.load %arg16[%get3A_127, %get3A_128] : memref<1x128xi32, #tpu.memory_space<vmem>>, vector<1x128xi32>
        %broadcast_in_dim3A_130 = vector.broadcast %get3A_126 : i32 to vector<1x128xi32>
        %select_n3A_131 = arith.select %eq3A_75, %broadcast_in_dim3A_130, %get3A_129 : vector<1x128xi1>, vector<1x128xi32>
        %swap3A_132 = arith.constant 0 : index
        %swap3A_133 = arith.constant 0 : index
        %swap3A_134 = vector.load %arg16[%swap3A_132, %swap3A_133] : memref<1x128xi32, #tpu.memory_space<vmem>>, vector<1x128xi32>
        tpu.vector_store %arg16[%swap3A_132, %swap3A_133], %select_n3A_131 {strides = array<i32>} : memref<1x128xi32, #tpu.memory_space<vmem>>, vector<1x128xi32>,
        %gt3A_135 = vector.broadcast %while3A_72 : i32 to vector<16x128xi32>
        %gt3A_136 = arith.cmpi sgt, %select_n3A_62, %gt3A_135 : vector<16x128xi32>
        %jit3A_137 = arith.constant 2000 : i32
        %broadcast_in_dim3A_138 = vector.broadcast %jit3A_137 : i32 to vector<16x128xi32>
        %select_n3A_139 = arith.select %gt3A_136, %select_n3A_62, %broadcast_in_dim3A_138 : vector<16x128xi1>, vector<16x128xi32>
        %reduce_min3A_140 = vector.shape_cast %select_n3A_139 : vector<16x128xi32> to vector<1x16x128xi32>
        %reduce_min3A_141 = arith.constant dense<2147483647> : vector<1xi32>
        %reduce_min3A_142 = vector.multi_reduction <minsi>, %reduce_min3A_140, %reduce_min3A_141 [1, 2] : vector<1x16x128xi32> to vector<1xi32>
        %reduce_min3A_143 = vector.shape_cast %reduce_min3A_142 : vector<1xi32> to vector<1x1x1xi32>
        %reduce_min3A_144 = vector.extract %reduce_min3A_143[0, 0, 0] : i32 from vector<1x1x1xi32>
        %add3A_145 = arith.constant 1 : i32
        %add3A_146 = arith.addi %while3A_73, %add3A_145 : i32
        scf.yield %reduce_min3A_144, %add3A_146 : i32, i32
      }
    } else {
    }
    return
  }
}

</mosaic_0001>

<sc_bundles>
// kernel: gather_offload_async_start
scs
__scs_entry_jumppad:
0x0: {  	(pc) =	sbr.rel $0x88, $3  }
0x1: {  	(tag) =	ssettag $0x0;
	lr =	simm.s32 $0x1  }
0x2: {  	[smem:$0x3F9F] =	sst lr;
	_ =	strace $0xD0000000  }
0x3: {  	_ = 	snop  }
0x4: {  	_ = 	snop  }
0x5: {  	_ = 	snop  }
0x6: {  	_ = 	snop  }
0x7: {  	_ = 	snop  }
__scs_overlays_trampoline_lowered:
0x8: {  	[smem:$0x3FAE] =	sst s0  }
0x9: {  	[smem:$0x3FAF] =	sst s1  }
0xa: {  	[smem:$0x3FB0] =	sst s2  }
0xb: {  	[smem:$0x3FB1] =	sst s3  }
0xc: {  	[smem:$0x3FB2] =	sst s4  }
0xd: {  	[smem:$0x3FB3] =	sst s5  }
0xe: {  	[smem:$0x3FB4] =	sst s6  }
0xf: {  	[smem:$0x3FB5] =	sst s7  }
0x10: {  	[smem:$0x3FB6] =	sst s8  }
0x11: {  	[smem:$0x3FB7] =	sst s9;
	s0 =	simm.s32 @!p0 $0x0  }
0x12: {  	s1 =	sld [smem:$0x3F9D];
	s0 =	simm.s32 @p0 $0x1  }
0x13: {  	[smem:$0x3FB8] =	sst s0;
	s0 =	simm.s32 @!p1 $0x0  }
0x14: {  	s2 =	sld [smem:$0x3F9C];
	s0 =	simm.s32 @p1 $0x1  }
0x15: {  	[smem:$0x3FB9] =	sst s0;
	s0 =	simm.s32 @!p2 $0x0  }
0x16: {  	s3 =	sld [smem:$0x3FDB];
	s0 =	simm.s32 @p2 $0x1  }
0x17: {  	s4 =	simm.s32 $0x1BF5;
	[smem:$0x3FBB] =	sst s0  }
0x18: {  	s0 =	sld [smem:$0x3F9E];
	_ =	swait.ge [sflag:s4], $0x0  }
0x19: {  	s7 =	sld [smem:$0x3F9F]  }
0x1a: {  	s8 =	sadd.s32 $0xFFFFE003, lr  }
0x1b: {  	s9 =	sadd.s32 $0xFFFFFEF7, lr;
	s5 =	simm.s32 $0xFFFFFFFF;
	p2 =	slt.u32 s8, $0xFFFFF086  }
0x1c: {  	p1 =	slt.u32 s9, $0xF7A;
	s5 =	simm.s32 @!p2 $0x0  }
0x1d: {  	s5 =	simm.s32 @p1 $0x1;
	p0 =	seq.s32 s7, s2  }
0x1e: {  	s7 =	smul.u32 @!p0 $0xF7A, s2;
	p2 =	seq.s32 @!p0 s5, $0x0  }
0x1f: {  	s9 =	smul.u32 $0xF7A, s1;
	s8 =	simm.s32 @!p0 $0x1BF5;
	p2 =	por !p2, p0  }
0x20: {  	[sflag:s8] =	ssyncset.s32 @!p0 $0xFFFFF086;
	s6 =	sadd.s32 @!p0 s3, s7;
	s7 =	simm.s32 @!p0 $0x108  }
0x21: {  	s3 =	sadd.s32 s3, s9;
	s6 =	sadd.s32 @!p0 $0x88, s6;
	s7 =	simm.s32 @p2 $0x1082  }
0x22: {  	[simem:s7], [sflag:s8] =	dma.local @!p0 [hbm:s6], $0xF7A  }
0x23: {  	s9 =	sor.u32 $0xD0000000, s2;
	s6 =	simm.s32 $0x108;
	_ =	swait.ge @!p0 [sflag:s8], $0x0  }
0x24: {  	s3 =	sadd.s32 $0x88, s3;
	s6 =	simm.s32 @!p1 $0x1082;
	[sflag:s4] =	ssyncset.s32 $0xFFFFF086  }
0x25: {  	[simem:s6], [sflag:s4] =	dma.local [hbm:s3], $0xF7A  }
0x26: {  	[smem:$0x3F9F] =	sst s1;
	(tag) =	ssettag s2;
	_ =	strace s9  }
0x27: {  	s1 =	sld [smem:$0x3FAF]  }
0x28: {  	s2 =	sld [smem:$0x3FB0]  }
0x29: {  	s4 =	sld [smem:$0x3FB2]  }
0x2a: {  	p0 =	seq.s32 s5, $0x0;
	s5 =	sld [smem:$0x3FB3]  }
0x2b: {  	s6 =	sld [smem:$0x3FB4]  }
0x2c: {  	s7 =	sld [smem:$0x3FB5]  }
0x2d: {  	s3 =	simm.s32 $0x108;
	s8 =	sld [smem:$0x3FB6]  }
0x2e: {  	s3 =	simm.s32 @!p0 $0x1082;
	s9 =	sld [smem:$0x3FB7]  }
0x2f: {  	lr =	sadd.s32 s0, s3;
	s0 =	sld [smem:$0x3FAE]  }
0x30: {  	s3 =	sld [smem:$0x3FB1]  }
0x31: {  	[smem:$0x3FBA] =	sst s10  }
0x32: {  	s10 =	sld [smem:$0x3FB8];
	_ =	sdelay $0x3  }
0x33: {  	p0 =	seq.s32 s10, $0x1;
	s10 =	sld [smem:$0x3FBA];
	_ =	sdelay $0x3  }
0x34: {  	[smem:$0x3FBA] =	sst s10  }
0x35: {  	s10 =	sld [smem:$0x3FB9];
	_ =	sdelay $0x3  }
0x36: {  	p1 =	seq.s32 s10, $0x1;
	s10 =	sld [smem:$0x3FBA];
	_ =	sdelay $0x3  }
0x37: {  	[smem:$0x3FBA] =	sst s10  }
0x38: {  	s10 =	sld [smem:$0x3FBB]  }
0x39: {  	_ = 	snop;
	(pc) =	sbr.ind lr, $3  }
0x3a: {  	_ = 	snop  }
0x3b: {  	_ = 	snop  }
0x3c: {  	p2 =	seq.s32 s10, $0x1;
	s10 =	sld [smem:$0x3FBA]  }
0x3d: {  	_ =	shalt  }
0x3e: {  	_ =	shalt  }
0x3f: {  	_ =	shalt  }
0x40: {  	_ =	shalt  }
0x41: {  	_ =	shalt  }
0x42: {  	_ =	shalt  }
0x43: {  	_ =	shalt  }
0x44: {  	_ =	shalt  }
0x45: {  	_ =	shalt  }
0x46: {  	_ =	shalt  }
0x47: {  	_ =	shalt  }
0x48: {  	_ =	shalt  }
0x49: {  	_ =	shalt  }
0x4a: {  	_ =	shalt  }
0x4b: {  	_ =	shalt  }
0x4c: {  	_ =	shalt  }
0x4d: {  	_ =	shalt  }
0x4e: {  	_ =	shalt  }
0x4f: {  	_ =	shalt  }
0x50: {  	_ =	shalt  }
0x51: {  	_ =	shalt  }
0x52: {  	_ =	shalt  }
0x53: {  	_ =	shalt  }
0x54: {  	_ =	shalt  }
0x55: {  	_ =	shalt  }
0x56: {  	_ =	shalt  }
0x57: {  	_ =	shalt  }
0x58: {  	_ =	shalt  }
0x59: {  	_ =	shalt  }
0x5a: {  	_ =	shalt  }
0x5b: {  	_ =	shalt  }
0x5c: {  	_ =	shalt  }
0x5d: {  	_ =	shalt  }
0x5e: {  	_ =	shalt  }
0x5f: {  	_ =	shalt  }
0x60: {  	_ =	shalt  }
0x61: {  	_ =	shalt  }
0x62: {  	_ =	shalt  }
0x63: {  	_ =	shalt  }
0x64: {  	_ =	shalt  }
0x65: {  	_ =	shalt  }
0x66: {  	_ =	shalt  }
0x67: {  	_ =	shalt  }
0x68: {  	_ =	shalt  }
0x69: {  	_ =	shalt  }
0x6a: {  	_ =	shalt  }
0x6b: {  	_ =	shalt  }
0x6c: {  	_ =	shalt  }
0x6d: {  	_ =	shalt  }
0x6e: {  	_ =	shalt  }
0x6f: {  	_ =	shalt  }
0x70: {  	_ =	shalt  }
0x71: {  	_ =	shalt  }
0x72: {  	_ =	shalt  }
0x73: {  	_ =	shalt  }
0x74: {  	_ =	shalt  }
0x75: {  	_ =	shalt  }
0x76: {  	_ =	shalt  }
0x77: {  	_ =	shalt  }
0x78: {  	_ =	shalt  }
0x79: {  	_ =	shalt  }
0x7a: {  	_ =	shalt  }
0x7b: {  	_ =	shalt  }
0x7c: {  	_ =	shalt  }
0x7d: {  	_ =	shalt  }
0x7e: {  	_ =	shalt  }
0x7f: {  	_ =	shalt  }
0x80: {  	_ =	shalt  }
0x81: {  	_ =	shalt  }
0x82: {  	_ =	shalt  }
0x83: {  	_ =	shalt  }
0x84: {  	_ =	shalt  }
0x85: {  	_ =	shalt  }
0x86: {  	_ =	shalt  }
0x87: {  	_ =	shalt  }
.Lfunc_end0:
.L_simem_size_0:
called_computation_lowered:
.L_overlay_start_0:
0x88: {  	s0 =	sld [smem:$0x3FD9]  }
0x89: {  	s1 =	sld [smem:$0x3FFE];
	_ =	sdelay $0x3  }
0x8a: {  	s0 =	sadd.s32 s1, s0  }
0x8b: {  	[smem:$0x3FC6] =	sst s0  }
0x8c: {  	_ = 	snop  }
0x8d: {  	(tm) =	ssettm $0x1  }
0x8e: {  	s15 =	sld [smem:$0x3FFB];
	_ =	sdelay $0x3  }
0x8f: {  	_ =	strace s15  }
0x90: {  	s0 =	sld [smem:$0x3FFC];
	_ =	sdelay $0x3  }
0x91: {  	_ =	strace s0  }
0x92: {  	s0 =	sld [smem:$0x3FFD];
	_ =	sdelay $0x3  }
0x93: {  	_ =	strace s0  }
0x94: {  	_ =	strace $0x8FFFFFFF  }
0x95: {  	s16 =	sld [smem:$0x3FDB];
	_ =	sdelay $0x1  }
0x96: {  	s17 =	simm.s32 $_scs_section_size  }
0x97: {  	s2 =	simm.s32 $_size__tile_overlayer_lowered;
	s3 =	simm.s32 $_tile_overlayer_lowered  }
0x98: {  	s20 =	simm.s32 $0x1BFF;
	s19 =	sshll.u32 s3, $0x1;
	s0 =	sadd.s32 s17, s16  }
0x99: {  	s4 =	simm.s32 $0x0;
	s18 =	sshll.u32 s2, $0x1;
	s2 =	sadd.s32 s19, s0  }
0x9a: {  	[timem:s4], [sflag:s20] =	dma.local [hbm:s2], s18  }
0x9b: {  	_ =	swait.ge [sflag:s20], s18  }
0x9c: {  	s1 =	ssub.s32 $0x0, s18;
	[sflag:s20] =	ssyncset.done $0x0  }
0x9d: {  	[sflag:s20] =	ssyncadd.s32 s1;
	_ =	sdelay $0x1  }
0x9e: {  	s21 =	simm.s32 $0x1B8B  }
0x9f: {  	_ =	swait.ge [sflag:s21], $0x1  }
0xa0: {  	[sflag:s21] =	ssyncset.done $0x0  }
0xa1: {  	s23 =	simm.s32 $0x1B8E;
	s22 =	sld [smem:$0x3FFE];
	[sflag:s21] =	ssyncadd.s32 $0xFFFFFFFF  }
0xa2: {  	s24 =	simm.s32 $execute0_lowered;
	[smem:$0x3FD2] =	sst s23  }
0xa3: {  	s2 =	sshll.u32 s24, $0x1;
	_ =	strace $0x80000046;
	[dreg:$0x1] =	wrdreg $0xFFFFFFFF  }
0xa4: {  	s25 =	simm.s32 $_size_execute0_lowered;
	s0 =	sadd.s32 s0, s2;
	[dreg:$0x0] =	wrdreg $0x0  }
0xa5: {  	s2 =	sshll.u32 s25, $0x1;
	[dreg:$0x2] =	wrdreg s0  }
0xa6: {  	[dreg:$0x3] =	wrdreg s2  }
0xa7: {  	[dreg:$0x4] =	wrdreg $0xC0  }
0xa8: {  	_ =	task [dreg:s4], $0x5FFFF  }
0xa9: {  	[dreg:$0x1] =	wrdreg $0xFFFFFFFF  }
0xaa: {  	[dreg:$0x0] =	wrdreg $0x60  }
0xab: {  	[dreg:$0x2] =	wrdreg s22  }
0xac: {  	[dreg:$0x3] =	wrdreg $0x9  }
0xad: {  	_ =	task.clear_ibuf [dreg:s4], $0x4FFFF;
	_ =	strace $0x90000046  }
0xae: {  	s26 =	simm.s32 $0x9;
	_ =	strace $0x80000048  }
0xaf: {  	_ =	swait.ge [sflag:s26], $0x1  }
0xb0: {  	[sflag:s26] =	ssyncadd.s32 $0xFFFFFFFF  }
0xb1: {  	_ =	strace $0x90000048  }
0xb2: {  	_ =	sfence  }
0xb3: {  	s28 =	sld [smem:$0x0];
	_ =	sdelay $0x1  }
0xb4: {  	s29 =	srdreg.scid  }
0xb5: {  	s30 =	sshll.u32 s29, $0xD;
	s31 =	sshrl.u32 s29, $0x2  }
0xb6: {  	s1 =	sand.u32 $0x1, s29;
	s2 =	sand.u32 $0x4000, s30;
	s0 =	sadd.s32 s31, s28  }
0xb7: {  	s1 =	sor.u32 s2, s1;
	s0 =	sshll.u32 s0, $0x11  }
0xb8: {  	s0 =	sor.u32 s0, s1  }
0xb9: {  	s0 =	sadd.s32 $0x8F2B, s0  }
0xba: {  	[sflag:s0] =	ssyncadd.remote.s32 $0x1  }
0xbb: {  	_ =	sfence.sel $0xFFFF  }
0xbc: {  	[dreg:$0x0] =	wrdreg $0xFFFFFFFF;
	(pc) =	sbr.abs _section_cstart, $3  }
0xbd: {  	[dreg:$0x1] =	wrdreg $0xFFFFFFFF  }
0xbe: {  	_ =	task.clear_ibuf [dreg:s4], $0x2FFFF;
	_ =	strace $0x9FFFFFFF  }
0xbf: {  	(tm) =	ssettm $0x7FFFFFFF  }
tec
execute0_lowered:
.L_overlay_start_1:
0x0: {  	(tag) =	ssettag $0x1  }
0x1: {  	s0 =	stileid.u32  }
0x2: {  	s1 =	smin.u32 s0, $0x9  }
0x3: {  	s1 =	sadd.s32 s0, s1  }
0x4: {  	p0 =	slt.u32 s0, $0x9;
	s2 =	smul.u32 $0x50, s1;
	s1 =	simm.s32 $0xA0  }
0x5: {  	s1 =	simm.s32 @!p0 $0x50  }
0x6: {  	s1 =	sadd.s32 s1, s2  }
0x7: {  	s3 =	smin.u32 s1, $0x7D0  }
0x8: {  	s7 =	ssub.s32 s3, s2  }
0x9: {  	p0 =	sgt.s32 s7, $0x0  }
0xa: {  	s7 =	simm.s32 @!p0 $0x0  }
0xb: {  	s31 =	smul.u32 $0xCCCD, s7  }
0xc: {  	s4 =	rddreg [dreg:$0x0];
	s6 =	simm.s32 $0x1  }
0xd: {  	s10 =	simm.s32 $0x3;
	s13 =	simm.s32 $0x0;
	s8 =	sshrl.u32 s31, $0x16  }
0xe: {  	s12 =	simm.s32 $0x0;
	s5 =	sadd.s32 $0x200, s4;
	s9 =	smul.u32 $0x50, s8  }
.Ltmp0:
0xf: {  	s11 =	smov.u32 s2;
	s1 =	rddreg [dreg:$0x1];
	(pc) =	sbr.rel .LBB2_1-.Ltmp0, $4  }
0x10: {  	_ =	strace $0x80000047;
	p0 =	sne.s32 s7, s9;
	s9 =	simm.s32 $0x1  }
0x11: {  	[sflag:s6] =	ssyncpa.u1 $0x0;
	s7 =	simm.s32 $0x2;
	s9 =	simm.s32 @!p0 $0x0  }
0x12: {  	[sflag:s7] =	ssyncpa.u1 $0x0;
	p0 =	por $0x0, $0x0;
	s8 =	sadd.s32 s8, s9  }
0x13: {  	vm0 =	vmmov $0xff;
	vm1 =	vcmask $0x3F20;
	s9 =	sadd.s32 $0x4E400, s4;
	[sflag:s10] =	ssyncpa.u1 $0x0;
	s10 =	sadd.s32 $0x1, s8  }
.LBB2_6:
0x14: {  	[hbm:s17] =	stream.linear.scatter [tilespmem:s14], [sflag:$0x3], $0x400, $0x38;
	[tilespmem:$0x50A0] =	vst v63  }
.LBB2_7:
0x15: {  	s13 =	sadd.s32 $0x50, s11  }
0x16: {  	s15 =	smov.u32 s2;
	p2 =	slt.s32 s13, s3  }
0x17: {  	s15 =	smov.u32 @p2 s13;
	p2 =	sne.s32 s12, s10  }
.Ltmp1:
0x18: {  	p1 =	slt.u32 s12, $0x2;
	(pc) =	sbr.rel @!p2 .LBB2_8-.Ltmp1, $4  }
0x19: {  	s14 =	simm.s32 @!p1 $0x3  }
0x1a: {  	s16 =	sadd.s32 $0x1, s12;
	_ =	swait.ge @!p1 [sflag:s14], $0x2800  }
0x1b: {  	p0 =	por !p0, !p0;
	s13 =	smov.u32 s11;
	[sflag:s14] =	ssyncset.done @!p1 $0x0  }
0x1c: {  	s12 =	smov.u32 s16;
	s11 =	smov.u32 s15;
	[sflag:s14] =	ssyncadd.s32 @!p1 $0xFFFFD800  }
.LBB2_1:
0x1d: {  	p1 =	sge.u32 s12, s8  }
0x1e: {  	s14 =	sxor.u32 @!p1 $0xFFFFFFFF, s12  }
0x1f: {  	s14 =	sand.u32 @!p1 $0x1, s14  }
0x20: {  	s14 =	smul.u32 @!p1 $0x140, s14  }
0x21: {  	s31 =	sadd.s32 $0xFFFFFFFF, s12;
	s15 =	sshrl.u32 @!p1 s11, $0x3  }
0x22: {  	s16 =	sand.u32 @!p1 $0x7, s11;
	s15 =	sadd.s32 @!p1 s4, s15;
	s14 =	sshrl.u32 @!p1 s14, $0x2  }
0x23: {  	[tilespmem:s14], [sflag:$0x2] =	stream.linear.gather @!p1 [hbm4b:s15+s16], $0x50, $0x38;
	[tilespmem:$0x50A0] =	vst v63  }
0x24: {  	p1 =	sge.u32 s31, s8  }
.Ltmp2:
0x25: {  	_ = 	snop;
	(pc) =	sbr.rel @p1 .LBB2_7-.Ltmp2, $1  }
0x26: {  	_ =	sdelay $0x3  }
0x27: {  	s14 =	simm.s32 $0x1  }
0x28: {  	s14 =	simm.s32 @!p0 $0x0  }
0x29: {  	s15 =	smul.u32 $0x140, s14  }
0x2a: {  	_ =	swait.ge [sflag:s7], $0x50  }
0x2b: {  	[sflag:s7] =	ssyncset.done $0x0;
	s16 =	sshrl.u32 s15, $0x2  }
0x2c: {  	[sflag:s7] =	ssyncadd.s32 $0xFFFFFFB0;
	s15 =	sadd.s32 $0x0, s16  }
0x2d: {  	v0 =	vld.msk [tilespmem:s15+$0x0 ss:$0x1], $0xffff;
	_ =	sdelay $0x4  }
0x2e: {  	vm2 =	vgt.s32 v0, $0x0  }
0x2f: {  	v0 =	vnsel vm2, $0x0, v0  }
0x30: {  	v0 =	vmin.u32 v0, $0x4E1F  }
0x31: {  	v0 =	vshll.u32 v0, $0x4  }
0x32: {  	s14 =	smul.u32 $0xA000, s14;
	_ =	sdelay $0x1  }
0x33: {  	s14 =	sshrl.u32 s14, $0x2  }
0x34: {  	s14 =	sor.u32 $0xA0, s14  }
0x35: {  	[tilespmem:s14], [sflag:$0x1] =	stream.indirect_vreg.gather [hbm:s5], $0x80, v0, vm0, $0x38;
	[tilespmem:$0x50A0] =	vst v63  }
0x36: {  	s17 =	sadd.s32 $0x10, s16;
	s15 =	sadd.s32 $0x400, s14  }
0x37: {  	[tilespmem:s15], [sflag:$0x1] =	stream.indirect_vreg.gather [hbm:s5], $0x80, v0, vm1, $0x38;
	[tilespmem:$0x50A0] =	vst v63  }
0x38: {  	s18 =	simm.s32 $0x80;
	v0 =	vld.msk [tilespmem:s17+$0x0 ss:$0x1], $0xffff;
	s17 =	smov.u32 s14  }
.LBB2_3:
0x39: {  	p1 =	sne.s32 s18, $0x100;
	_ =	sdelay $0x4  }
0x3a: {  	vm2 =	vgt.s32 v0, $0x0  }
0x3b: {  	v0 =	vnsel vm2, $0x0, v0  }
0x3c: {  	v0 =	vmin.u32 v0, $0x4E1F  }
0x3d: {  	v0 =	vshll.u32 v0, $0x4;
	_ =	sdelay $0x3  }
.Ltmp3:
0x3e: {  	s19 =	sshra.s32 s18, $0x2;
	s17 =	sadd.s32 $0x800, s17;
	(pc) =	sbr.rel @p1 .LBB2_3-.Ltmp3, $4  }
0x3f: {  	[tilespmem:s17], [sflag:$0x1] =	stream.indirect_vreg.gather [hbm:s5], $0x80, v0, vm0, $0x38;
	[tilespmem:$0x50A0] =	vst v63  }
0x40: {  	s19 =	sadd.s32 s19, s16;
	s20 =	sadd.s32 $0x400, s17  }
0x41: {  	[tilespmem:s20], [sflag:$0x1] =	stream.indirect_vreg.gather [hbm:s5], $0x80, v0, vm1, $0x38;
	[tilespmem:$0x50A0] =	vst v63  }
0x42: {  	s18 =	sadd.s32 $0x40, s18;
	v0 =	vld.msk [tilespmem:s19+$0x0 ss:$0x1], $0xffff  }
0x43: {  	_ =	sdelay $0x3  }
0x44: {  	vm2 =	vgt.s32 v0, $0x0  }
0x45: {  	v0 =	vnsel vm2, $0x0, v0  }
0x46: {  	v0 =	vmin.u32 v0, $0x4E1F  }
0x47: {  	v0 =	vshll.u32 v0, $0x4;
	_ =	sdelay $0x3  }
0x48: {  	s16 =	sadd.s32 $0x800, s17  }
0x49: {  	[tilespmem:s16], [sflag:$0x1] =	stream.indirect_vreg.gather [hbm:s5], $0x80, v0, vm0, $0x38;
	[tilespmem:$0x50A0] =	vst v63  }
0x4a: {  	s16 =	sadd.s32 $0x400, s16  }
0x4b: {  	[tilespmem:s16], [sflag:$0x1] =	stream.indirect_vreg.gather [hbm:s5], $0x80, v0, vm1, $0x38;
	[tilespmem:$0x50A0] =	vst v63  }
0x4c: {  	s13 =	sshll.u32 s13, $0x4;
	_ =	swait.ge [sflag:s6], $0x2800  }
0x4d: {  	s13 =	sadd.s32 s13, s9;
	[sflag:s6] =	ssyncset.done $0x0  }
0x4e: {  	s17 =	sadd.s32 $0x0, s13;
	s16 =	simm.s32 $0x80;
	[sflag:s6] =	ssyncadd.s32 $0xFFFFD800  }
.LBB2_5:
0x4f: {  	[hbm:s17] =	stream.linear.scatter [tilespmem:s14], [sflag:$0x3], $0x400, $0x38;
	[tilespmem:$0x50A0] =	vst v63  }
0x50: {  	s17 =	smov.u32 s16;
	s14 =	smov.u32 s15;
	p1 =	sne.s32 s16, $0x480  }
.Ltmp4:
0x51: {  	s16 =	sadd.s32 $0x80, s16;
	(pc) =	sbr.rel @p1 .LBB2_5-.Ltmp4, $2  }
0x52: {  	_ =	sdelay $0x2  }
0x53: {  	s15 =	sadd.s32 $0x400, s15;
	s17 =	sadd.s32 s17, s13  }
.Ltmp5:
0x54: {  	_ = 	snop;
	(pc) =	sbr.rel .LBB2_6-.Ltmp5, $1  }
0x55: {  	_ =	sdelay $0x3  }
.LBB2_8:
0x56: {  	_ =	sfence.sel $0x180000  }
0x57: {  	s2 =	simm.s32 $0x2;
	[bflag:$0x0] =	sbarrier.arrive $0xFFFF  }
0x58: {  	s30 =	simm.s32 $0x3;
	[sflag:s2] =	ssyncpa.u1 $0x1  }
0x59: {  	s31 =	simm.s32 $0x1;
	[sflag:s30] =	ssyncpa.u1 $0x1  }
0x5a: {  	[sflag:s31] =	ssyncpa.u1 $0x1  }
0x5b: {  	p0 =	sne.s32 s0, $0x0;
	_ =	strace $0x90000047  }
0x5c: {  	s0 =	sadd.s32 @!p0 $0x100000, s1;
	[bflag:$0x2] =	sbarrier.arrive $0xFFFF  }
0x5d: {  	[sflag:s0] =	ssyncadd.tile.s32 @!p0 $0x1;
	_ =	shalt  }
.Lfunc_end2:
_tile_overlayer_lowered:
.L_overlay_start_2:
0x5e: {  	(tag) =	ssettag $0x2  }
0x5f: {  	s0 =	rddreg [dreg:$0x0];
	s2 =	stileid.u32  }
0x60: {  	s1 =	rddreg [dreg:$0x1];
	p0 =	sne.s32 s2, $0x0  }
0x61: {  	s3 =	rddreg [dreg:$0x2];
	[bflag:$0x3] =	sbarrier.arrive $0xFFFF;
	s2 =	simm.s32 @!p0 $0x1C01  }
0x62: {  	[timem:s3], [sflag:s2] =	dma.local @!p0 [hbm:s0], s1  }
0x63: {  	s0 =	simm.s32 @!p0 $0x1  }
0x64: {  	_ =	swait.ge @!p0 [sflag:s0], s1  }
0x65: {  	s1 =	ssub.s32 @!p0 $0x0, s1;
	[sflag:s0] =	ssyncset.done @!p0 $0x0  }
0x66: {  	[sflag:s0] =	ssyncadd.s32 @!p0 s1  }
0x67: {  	[bflag:$0x3] =	sbarrier.arrive $0xFFFF  }
0x68: {  	_ =	shalt  }

</sc_bundles>
